<compile_context>
chip_gen: v7x
topology: tpu7x:2x2x1
jax: 0.10.2.dev20260603
libtpu: 0.0.44.dev20260713+nightly
codegen_flags: <defaults>
</compile_context>

<pallas_src>
import functools

import jax
import jax.numpy as jnp
from jax import lax
from jax.experimental import pallas as pl
from jax.experimental.pallas import tpu as pltpu
from jax.experimental.pallas import tpu_sc as plsc

N_TOK = 16 * 32 * 32
D = 64
K = 1024
BLK = 8192
GRID = N_TOK // BLK

NC = 1
NS = 16
NW = NC * NS
BPW = N_TOK // NW
CH = 128
NCH = BPW // CH


def _tc_body(x_ref, e_ref, idx_ref, loss_ref, et_ref, esq_ref, kiota_ref):
    step = pl.program_id(0)

    @pl.when(step == 0)
    def _():
        e0 = e_ref[...]
        esq_ref[...] = jnp.sum(e0 * e0, axis=0, keepdims=True)
        kiota_ref[...] = lax.broadcasted_iota(
            jnp.int32, (8, K), 1).astype(jnp.float32)

    x = x_ref[...]
    e = e_ref[...]
    sim2 = lax.dot_general(
        x + x, e, (((1,), (0,)), ((), ())),
        preferred_element_type=jnp.float32,
    )
    xsq = jnp.sum(x * x, axis=1, keepdims=True)
    esq = esq_ref[...]
    dist = (xsq + esq) - sim2
    minv = jnp.min(dist, axis=1, keepdims=True)
    kiota = jnp.broadcast_to(kiota_ref[0:1, :], (BLK, K))
    idxf = jnp.min(jnp.where(dist == minv, kiota, float(K)), axis=1,
                   keepdims=True)
    idx_ref[...] = idxf.astype(jnp.int32).reshape(BLK // CH, CH)
    part = jnp.sum(minv)

    @pl.when(step == 0)
    def _():
        loss_ref[0, 0] = part

    @pl.when(step != 0)
    def _():
        loss_ref[0, 0] += part

    @pl.when(step == GRID - 1)
    def _():
        loss_ref[0, 0] *= 1.25 / (N_TOK * D)

    @pl.when(step == 0)
    def _():
        et_ref[...] = e.T


_tc_call = pl.pallas_call(
    _tc_body,
    grid=(GRID,),
    in_specs=[
        pl.BlockSpec((BLK, D), lambda i: (i, 0)),
        pl.BlockSpec((D, K), lambda i: (0, 0)),
    ],
    out_specs=[
        pl.BlockSpec((BLK // CH, CH), lambda i: (i, 0)),
        pl.BlockSpec(memory_space=pltpu.SMEM),
        pl.BlockSpec((K, D), lambda i: (0, 0)),
    ],
    out_shape=[
        jax.ShapeDtypeStruct((N_TOK // CH, CH), jnp.int32),
        jax.ShapeDtypeStruct((1, 1), jnp.float32),
        jax.ShapeDtypeStruct((K, D), jnp.float32),
    ],
    scratch_shapes=[
        pltpu.VMEM((1, K), jnp.float32),
        pltpu.VMEM((8, K), jnp.float32),
    ],
)


@functools.cache
def _sc_gather_call():
    mesh = plsc.VectorSubcoreMesh(core_axis_name="c", subcore_axis_name="s", num_cores=1)

    @functools.partial(
        pl.kernel,
        mesh=mesh,
        compiler_params=pltpu.CompilerParams(use_tc_tiling_on_sc=False),
        out_type=jax.ShapeDtypeStruct((N_TOK, D), jnp.float32),
        scratch_types=[
            pltpu.VMEM((NCH, CH), jnp.int32),
            pltpu.VMEM((BPW, D), jnp.float32),
            pltpu.SemaphoreType.DMA,
        ],
    )
    def _sc_gather(et_hbm, idx_hbm, out_hbm, idx_v, rows_v, sem):
        wid = lax.axis_index("s") * NC + lax.axis_index("c")
        pltpu.sync_copy(idx_hbm.at[pl.ds(wid * NCH, NCH)], idx_v)
        copies = [
            pltpu.async_copy(
                et_hbm.at[idx_v.at[j]],
                rows_v.at[pl.ds(j * CH, CH)],
                sem,
            )
            for j in range(NCH)
        ]
        for c in copies:
            c.wait()
        pltpu.sync_copy(rows_v, out_hbm.at[pl.ds(wid * BPW, BPW)])

    return _sc_gather


def kernel(x, embeddings):
    xf = x.reshape(N_TOK, D)
    idx_rows, loss_sum, et = _tc_call(xf, embeddings)
    qf = _sc_gather_call()(et, idx_rows)
    quantized = qf.reshape(x.shape)
    vq_loss = loss_sum[0, 0]
    return quantized, vq_loss

# --- scband reference (transcript-rebuilt; emitter-appended) ---
"""Pipeline reference for scband-vqvaetrainer-32100585571103 (READ-ONLY COPY).

The authoritative reference and input builder live on the scoring server;
editing this copy changes nothing except your own understanding.
"""

import jax, jax.numpy as jnp
import numpy as np

BETA = 0.25
NUM_EMBEDDINGS = 1024
EMBEDDING_DIM = 64


def setup_inputs(seed: int = 0) -> dict:
    key = jax.random.key(seed)
    kx, ke = jax.random.split(key)
    # encoder output latents: [B, Hl, Wl, D] = [16, 32, 32, 64]
    x = jax.random.normal(kx, (16, 32, 32, EMBEDDING_DIM), dtype=jnp.float32)
    # tf.random_uniform_initializer default: uniform in [-0.05, 0.05]
    embeddings = jax.random.uniform(
        ke, (EMBEDDING_DIM, NUM_EMBEDDINGS), dtype=jnp.float32,
        minval=-0.05, maxval=0.05,
    )
    return {"x": x, "embeddings": embeddings}


def reference(x, embeddings):
    d = embeddings.shape[0]
    flattened = x.reshape(-1, d)
    # get_code_indices: squared L2 distance via expanded form
    similarity = flattened @ embeddings
    distances = (
        jnp.sum(flattened ** 2, axis=1, keepdims=True)
        + jnp.sum(embeddings ** 2, axis=0)
        - 2.0 * similarity
    )
    encoding_indices = jnp.argmin(distances, axis=1)
    # one_hot @ embeddings^T is exactly a row-gather from embeddings^T
    quantized = jnp.take(embeddings.T, encoding_indices, axis=0)
    quantized = quantized.reshape(x.shape)
    # VQ losses (added via add_loss in the keras layer)
    commitment_loss = BETA * jnp.mean((jax.lax.stop_gradient(quantized) - x) ** 2)
    codebook_loss = jnp.mean((quantized - jax.lax.stop_gradient(x)) ** 2)
    vq_loss = commitment_loss + codebook_loss
    # straight-through estimator
    quantized_st = x + jax.lax.stop_gradient(quantized - x)
    return quantized_st, vq_loss

if __name__ == "__main__":
    import jax
    _d = setup_inputs()
    print(jax.jit(kernel)(*tuple(_d.values())))

</pallas_src>

<mosaic_0001>
#map = affine_map<(d0, d1) -> (0, 0)>
module attributes {stable_mosaic.version = 14 : i64} {
  func.func @_sc_gather(%arg0: i32, %arg1: i32, %arg2: memref<1024x64xf32, #tpu.memory_space<hbm>>, %arg3: memref<128x128xi32, #tpu.memory_space<hbm>>, %arg4: memref<16384x64xf32, #tpu.memory_space<hbm>>, %arg5: memref<8x128xi32, #tpu.memory_space<vmem>>, %arg6: memref<1024x64xf32, #tpu.memory_space<vmem>>, %arg7: memref<!tpu.dma_semaphore, #tpu.memory_space<semaphore_mem>>) attributes {dimension_semantics = [#tpu.dimension_semantics<core_parallel>, #tpu.dimension_semantics<subcore_parallel>], iteration_bounds = array<i64: 1, 16>, scalar_prefetch = 0 : i64, scratch_operands = 3 : i64, tpu.core_type = #tpu.core_type<sc_vector_subcore>, window_params = [{transform_indices = #map}, {transform_indices = #map}, {transform_indices = #map}]} {
    %mul3A = arith.constant 1 : i32
    %mul3A_0 = arith.muli %arg1, %mul3A : i32
    %add3A = arith.addi %mul3A_0, %arg0 : i32
    %mul3A_1 = arith.constant 8 : i32
    %mul3A_2 = arith.muli %add3A, %mul3A_1 : i32
    "tpu.region"() ({
      %run_scoped3A = tpu.sem_alloc : memref<!tpu.dma_semaphore, #tpu.memory_space<semaphore_mem>>
      %dma_start3A_163 = arith.constant 0 : i32
      %dma_start3A_164 = tpu.memref_slice %arg3[%mul3A_2, %dma_start3A_163] : memref<128x128xi32, #tpu.memory_space<hbm>> -> memref<8x128xi32, #tpu.memory_space<hbm>>
      %dma_start3A_165 = arith.constant 0 : i32
      %dma_start3A_166 = tpu.memref_slice %arg3[%mul3A_2, %dma_start3A_165] : memref<128x128xi32, #tpu.memory_space<hbm>> -> memref<8x128xi32, #tpu.memory_space<hbm>>
      tpu.enqueue_dma source(%dma_start3A_166 : memref<8x128xi32, #tpu.memory_space<hbm>>) target(%arg5 : memref<8x128xi32, #tpu.memory_space<vmem>>) target_semaphore(%run_scoped3A : memref<!tpu.dma_semaphore, #tpu.memory_space<semaphore_mem>>)
      %dma_wait3A_167 = arith.constant 0 : i32
      %dma_wait3A_168 = tpu.memref_slice %arg3[%mul3A_2, %dma_wait3A_167] : memref<128x128xi32, #tpu.memory_space<hbm>> -> memref<8x128xi32, #tpu.memory_space<hbm>>
      %dma_wait3A_169 = arith.constant 0 : i32
      %dma_wait3A_170 = tpu.memref_slice %arg3[%mul3A_2, %dma_wait3A_169] : memref<128x128xi32, #tpu.memory_space<hbm>> -> memref<8x128xi32, #tpu.memory_space<hbm>>
      tpu.wait_dma2 semaphore(%run_scoped3A : memref<!tpu.dma_semaphore, #tpu.memory_space<semaphore_mem>>) src(%dma_wait3A_170 : memref<8x128xi32, #tpu.memory_space<hbm>>) dst(%arg5 : memref<8x128xi32, #tpu.memory_space<vmem>>)
      tpu.yield
    }) : () -> ()
    %dma_start3A = arith.constant 0 : i32
    %dma_start3A_3 = arith.constant 0 : i32
    %dma_start3A_4 = arith.constant 0 : i32
    %dma_start3A_5 = tpu.memref_slice %arg6[%dma_start3A_3, %dma_start3A_4] : memref<1024x64xf32, #tpu.memory_space<vmem>> -> memref<128x64xf32, #tpu.memory_space<vmem>>
    %dma_start3A_6 = arith.constant 0 : i32
    %dma_start3A_7 = tpu.memref_slice %arg5[%dma_start3A, %dma_start3A_6] : memref<8x128xi32, #tpu.memory_space<vmem>> -> memref<1x128xi32, #tpu.memory_space<vmem>>
    %dma_start3A_8 = tpu.memref_squeeze %dma_start3A_7 : memref<1x128xi32, #tpu.memory_space<vmem>> -> memref<128xi32, #tpu.memory_space<vmem>>
    %dma_start3A_9 = arith.constant 0 : i32
    %dma_start3A_10 = arith.constant 0 : i32
    %dma_start3A_11 = tpu.memref_slice %arg2[%dma_start3A_9, %dma_start3A_10] : memref<1024x64xf32, #tpu.memory_space<hbm>> -> memref<1024x64xf32, #tpu.memory_space<hbm>>
    tpu.enqueue_indirect_dma source(%dma_start3A_11 : memref<1024x64xf32, #tpu.memory_space<hbm>>) target(%dma_start3A_5 : memref<128x64xf32, #tpu.memory_space<vmem>>) offsets(%dma_start3A_8 : memref<128xi32, #tpu.memory_space<vmem>>) semaphore(%arg7 : memref<!tpu.dma_semaphore, #tpu.memory_space<semaphore_mem>>)
    %dma_start3A_12 = arith.constant 1 : i32
    %dma_start3A_13 = arith.constant 128 : i32
    %dma_start3A_14 = arith.constant 0 : i32
    %dma_start3A_15 = tpu.memref_slice %arg6[%dma_start3A_13, %dma_start3A_14] : memref<1024x64xf32, #tpu.memory_space<vmem>> -> memref<128x64xf32, #tpu.memory_space<vmem>>
    %dma_start3A_16 = arith.constant 0 : i32
    %dma_start3A_17 = tpu.memref_slice %arg5[%dma_start3A_12, %dma_start3A_16] : memref<8x128xi32, #tpu.memory_space<vmem>> -> memref<1x128xi32, #tpu.memory_space<vmem>>
    %dma_start3A_18 = tpu.memref_squeeze %dma_start3A_17 : memref<1x128xi32, #tpu.memory_space<vmem>> -> memref<128xi32, #tpu.memory_space<vmem>>
    %dma_start3A_19 = arith.constant 0 : i32
    %dma_start3A_20 = arith.constant 0 : i32
    %dma_start3A_21 = tpu.memref_slice %arg2[%dma_start3A_19, %dma_start3A_20] : memref<1024x64xf32, #tpu.memory_space<hbm>> -> memref<1024x64xf32, #tpu.memory_space<hbm>>
    tpu.enqueue_indirect_dma source(%dma_start3A_21 : memref<1024x64xf32, #tpu.memory_space<hbm>>) target(%dma_start3A_15 : memref<128x64xf32, #tpu.memory_space<vmem>>) offsets(%dma_start3A_18 : memref<128xi32, #tpu.memory_space<vmem>>) semaphore(%arg7 : memref<!tpu.dma_semaphore, #tpu.memory_space<semaphore_mem>>)
    %dma_start3A_22 = arith.constant 2 : i32
    %dma_start3A_23 = arith.constant 256 : i32
    %dma_start3A_24 = arith.constant 0 : i32
    %dma_start3A_25 = tpu.memref_slice %arg6[%dma_start3A_23, %dma_start3A_24] : memref<1024x64xf32, #tpu.memory_space<vmem>> -> memref<128x64xf32, #tpu.memory_space<vmem>>
    %dma_start3A_26 = arith.constant 0 : i32
    %dma_start3A_27 = tpu.memref_slice %arg5[%dma_start3A_22, %dma_start3A_26] : memref<8x128xi32, #tpu.memory_space<vmem>> -> memref<1x128xi32, #tpu.memory_space<vmem>>
    %dma_start3A_28 = tpu.memref_squeeze %dma_start3A_27 : memref<1x128xi32, #tpu.memory_space<vmem>> -> memref<128xi32, #tpu.memory_space<vmem>>
    %dma_start3A_29 = arith.constant 0 : i32
    %dma_start3A_30 = arith.constant 0 : i32
    %dma_start3A_31 = tpu.memref_slice %arg2[%dma_start3A_29, %dma_start3A_30] : memref<1024x64xf32, #tpu.memory_space<hbm>> -> memref<1024x64xf32, #tpu.memory_space<hbm>>
    tpu.enqueue_indirect_dma source(%dma_start3A_31 : memref<1024x64xf32, #tpu.memory_space<hbm>>) target(%dma_start3A_25 : memref<128x64xf32, #tpu.memory_space<vmem>>) offsets(%dma_start3A_28 : memref<128xi32, #tpu.memory_space<vmem>>) semaphore(%arg7 : memref<!tpu.dma_semaphore, #tpu.memory_space<semaphore_mem>>)
    %dma_start3A_32 = arith.constant 3 : i32
    %dma_start3A_33 = arith.constant 384 : i32
    %dma_start3A_34 = arith.constant 0 : i32
    %dma_start3A_35 = tpu.memref_slice %arg6[%dma_start3A_33, %dma_start3A_34] : memref<1024x64xf32, #tpu.memory_space<vmem>> -> memref<128x64xf32, #tpu.memory_space<vmem>>
    %dma_start3A_36 = arith.constant 0 : i32
    %dma_start3A_37 = tpu.memref_slice %arg5[%dma_start3A_32, %dma_start3A_36] : memref<8x128xi32, #tpu.memory_space<vmem>> -> memref<1x128xi32, #tpu.memory_space<vmem>>
    %dma_start3A_38 = tpu.memref_squeeze %dma_start3A_37 : memref<1x128xi32, #tpu.memory_space<vmem>> -> memref<128xi32, #tpu.memory_space<vmem>>
    %dma_start3A_39 = arith.constant 0 : i32
    %dma_start3A_40 = arith.constant 0 : i32
    %dma_start3A_41 = tpu.memref_slice %arg2[%dma_start3A_39, %dma_start3A_40] : memref<1024x64xf32, #tpu.memory_space<hbm>> -> memref<1024x64xf32, #tpu.memory_space<hbm>>
    tpu.enqueue_indirect_dma source(%dma_start3A_41 : memref<1024x64xf32, #tpu.memory_space<hbm>>) target(%dma_start3A_35 : memref<128x64xf32, #tpu.memory_space<vmem>>) offsets(%dma_start3A_38 : memref<128xi32, #tpu.memory_space<vmem>>) semaphore(%arg7 : memref<!tpu.dma_semaphore, #tpu.memory_space<semaphore_mem>>)
    %dma_start3A_42 = arith.constant 4 : i32
    %dma_start3A_43 = arith.constant 512 : i32
    %dma_start3A_44 = arith.constant 0 : i32
    %dma_start3A_45 = tpu.memref_slice %arg6[%dma_start3A_43, %dma_start3A_44] : memref<1024x64xf32, #tpu.memory_space<vmem>> -> memref<128x64xf32, #tpu.memory_space<vmem>>
    %dma_start3A_46 = arith.constant 0 : i32
    %dma_start3A_47 = tpu.memref_slice %arg5[%dma_start3A_42, %dma_start3A_46] : memref<8x128xi32, #tpu.memory_space<vmem>> -> memref<1x128xi32, #tpu.memory_space<vmem>>
    %dma_start3A_48 = tpu.memref_squeeze %dma_start3A_47 : memref<1x128xi32, #tpu.memory_space<vmem>> -> memref<128xi32, #tpu.memory_space<vmem>>
    %dma_start3A_49 = arith.constant 0 : i32
    %dma_start3A_50 = arith.constant 0 : i32
    %dma_start3A_51 = tpu.memref_slice %arg2[%dma_start3A_49, %dma_start3A_50] : memref<1024x64xf32, #tpu.memory_space<hbm>> -> memref<1024x64xf32, #tpu.memory_space<hbm>>
    tpu.enqueue_indirect_dma source(%dma_start3A_51 : memref<1024x64xf32, #tpu.memory_space<hbm>>) target(%dma_start3A_45 : memref<128x64xf32, #tpu.memory_space<vmem>>) offsets(%dma_start3A_48 : memref<128xi32, #tpu.memory_space<vmem>>) semaphore(%arg7 : memref<!tpu.dma_semaphore, #tpu.memory_space<semaphore_mem>>)
    %dma_start3A_52 = arith.constant 5 : i32
    %dma_start3A_53 = arith.constant 640 : i32
    %dma_start3A_54 = arith.constant 0 : i32
    %dma_start3A_55 = tpu.memref_slice %arg6[%dma_start3A_53, %dma_start3A_54] : memref<1024x64xf32, #tpu.memory_space<vmem>> -> memref<128x64xf32, #tpu.memory_space<vmem>>
    %dma_start3A_56 = arith.constant 0 : i32
    %dma_start3A_57 = tpu.memref_slice %arg5[%dma_start3A_52, %dma_start3A_56] : memref<8x128xi32, #tpu.memory_space<vmem>> -> memref<1x128xi32, #tpu.memory_space<vmem>>
    %dma_start3A_58 = tpu.memref_squeeze %dma_start3A_57 : memref<1x128xi32, #tpu.memory_space<vmem>> -> memref<128xi32, #tpu.memory_space<vmem>>
    %dma_start3A_59 = arith.constant 0 : i32
    %dma_start3A_60 = arith.constant 0 : i32
    %dma_start3A_61 = tpu.memref_slice %arg2[%dma_start3A_59, %dma_start3A_60] : memref<1024x64xf32, #tpu.memory_space<hbm>> -> memref<1024x64xf32, #tpu.memory_space<hbm>>
    tpu.enqueue_indirect_dma source(%dma_start3A_61 : memref<1024x64xf32, #tpu.memory_space<hbm>>) target(%dma_start3A_55 : memref<128x64xf32, #tpu.memory_space<vmem>>) offsets(%dma_start3A_58 : memref<128xi32, #tpu.memory_space<vmem>>) semaphore(%arg7 : memref<!tpu.dma_semaphore, #tpu.memory_space<semaphore_mem>>)
    %dma_start3A_62 = arith.constant 6 : i32
    %dma_start3A_63 = arith.constant 768 : i32
    %dma_start3A_64 = arith.constant 0 : i32
    %dma_start3A_65 = tpu.memref_slice %arg6[%dma_start3A_63, %dma_start3A_64] : memref<1024x64xf32, #tpu.memory_space<vmem>> -> memref<128x64xf32, #tpu.memory_space<vmem>>
    %dma_start3A_66 = arith.constant 0 : i32
    %dma_start3A_67 = tpu.memref_slice %arg5[%dma_start3A_62, %dma_start3A_66] : memref<8x128xi32, #tpu.memory_space<vmem>> -> memref<1x128xi32, #tpu.memory_space<vmem>>
    %dma_start3A_68 = tpu.memref_squeeze %dma_start3A_67 : memref<1x128xi32, #tpu.memory_space<vmem>> -> memref<128xi32, #tpu.memory_space<vmem>>
    %dma_start3A_69 = arith.constant 0 : i32
    %dma_start3A_70 = arith.constant 0 : i32
    %dma_start3A_71 = tpu.memref_slice %arg2[%dma_start3A_69, %dma_start3A_70] : memref<1024x64xf32, #tpu.memory_space<hbm>> -> memref<1024x64xf32, #tpu.memory_space<hbm>>
    tpu.enqueue_indirect_dma source(%dma_start3A_71 : memref<1024x64xf32, #tpu.memory_space<hbm>>) target(%dma_start3A_65 : memref<128x64xf32, #tpu.memory_space<vmem>>) offsets(%dma_start3A_68 : memref<128xi32, #tpu.memory_space<vmem>>) semaphore(%arg7 : memref<!tpu.dma_semaphore, #tpu.memory_space<semaphore_mem>>)
    %dma_start3A_72 = arith.constant 7 : i32
    %dma_start3A_73 = arith.constant 896 : i32
    %dma_start3A_74 = arith.constant 0 : i32
    %dma_start3A_75 = tpu.memref_slice %arg6[%dma_start3A_73, %dma_start3A_74] : memref<1024x64xf32, #tpu.memory_space<vmem>> -> memref<128x64xf32, #tpu.memory_space<vmem>>
    %dma_start3A_76 = arith.constant 0 : i32
    %dma_start3A_77 = tpu.memref_slice %arg5[%dma_start3A_72, %dma_start3A_76] : memref<8x128xi32, #tpu.memory_space<vmem>> -> memref<1x128xi32, #tpu.memory_space<vmem>>
    %dma_start3A_78 = tpu.memref_squeeze %dma_start3A_77 : memref<1x128xi32, #tpu.memory_space<vmem>> -> memref<128xi32, #tpu.memory_space<vmem>>
    %dma_start3A_79 = arith.constant 0 : i32
    %dma_start3A_80 = arith.constant 0 : i32
    %dma_start3A_81 = tpu.memref_slice %arg2[%dma_start3A_79, %dma_start3A_80] : memref<1024x64xf32, #tpu.memory_space<hbm>> -> memref<1024x64xf32, #tpu.memory_space<hbm>>
    tpu.enqueue_indirect_dma source(%dma_start3A_81 : memref<1024x64xf32, #tpu.memory_space<hbm>>) target(%dma_start3A_75 : memref<128x64xf32, #tpu.memory_space<vmem>>) offsets(%dma_start3A_78 : memref<128xi32, #tpu.memory_space<vmem>>) semaphore(%arg7 : memref<!tpu.dma_semaphore, #tpu.memory_space<semaphore_mem>>)
    %dma_wait3A = arith.constant 0 : i32
    %dma_wait3A_82 = arith.constant 0 : i32
    %dma_wait3A_83 = arith.constant 0 : i32
    %dma_wait3A_84 = tpu.memref_slice %arg6[%dma_wait3A_82, %dma_wait3A_83] : memref<1024x64xf32, #tpu.memory_space<vmem>> -> memref<128x64xf32, #tpu.memory_space<vmem>>
    %dma_wait3A_85 = arith.constant 0 : i32
    %dma_wait3A_86 = tpu.memref_slice %arg5[%dma_wait3A, %dma_wait3A_85] : memref<8x128xi32, #tpu.memory_space<vmem>> -> memref<1x128xi32, #tpu.memory_space<vmem>>
    %dma_wait3A_87 = tpu.memref_squeeze %dma_wait3A_86 : memref<1x128xi32, #tpu.memory_space<vmem>> -> memref<128xi32, #tpu.memory_space<vmem>>
    %dma_wait3A_88 = arith.constant 0 : i32
    %dma_wait3A_89 = arith.constant 0 : i32
    %dma_wait3A_90 = tpu.memref_slice %arg2[%dma_wait3A_88, %dma_wait3A_89] : memref<1024x64xf32, #tpu.memory_space<hbm>> -> memref<1024x64xf32, #tpu.memory_space<hbm>>
    tpu.wait_indirect_dma semaphore(%arg7 : memref<!tpu.dma_semaphore, #tpu.memory_space<semaphore_mem>>) src(%dma_wait3A_90 : memref<1024x64xf32, #tpu.memory_space<hbm>>) dst(%dma_wait3A_84 : memref<128x64xf32, #tpu.memory_space<vmem>>)
    %dma_wait3A_91 = arith.constant 1 : i32
    %dma_wait3A_92 = arith.constant 128 : i32
    %dma_wait3A_93 = arith.constant 0 : i32
    %dma_wait3A_94 = tpu.memref_slice %arg6[%dma_wait3A_92, %dma_wait3A_93] : memref<1024x64xf32, #tpu.memory_space<vmem>> -> memref<128x64xf32, #tpu.memory_space<vmem>>
    %dma_wait3A_95 = arith.constant 0 : i32
    %dma_wait3A_96 = tpu.memref_slice %arg5[%dma_wait3A_91, %dma_wait3A_95] : memref<8x128xi32, #tpu.memory_space<vmem>> -> memref<1x128xi32, #tpu.memory_space<vmem>>
    %dma_wait3A_97 = tpu.memref_squeeze %dma_wait3A_96 : memref<1x128xi32, #tpu.memory_space<vmem>> -> memref<128xi32, #tpu.memory_space<vmem>>
    %dma_wait3A_98 = arith.constant 0 : i32
    %dma_wait3A_99 = arith.constant 0 : i32
    %dma_wait3A_100 = tpu.memref_slice %arg2[%dma_wait3A_98, %dma_wait3A_99] : memref<1024x64xf32, #tpu.memory_space<hbm>> -> memref<1024x64xf32, #tpu.memory_space<hbm>>
    tpu.wait_indirect_dma semaphore(%arg7 : memref<!tpu.dma_semaphore, #tpu.memory_space<semaphore_mem>>) src(%dma_wait3A_100 : memref<1024x64xf32, #tpu.memory_space<hbm>>) dst(%dma_wait3A_94 : memref<128x64xf32, #tpu.memory_space<vmem>>)
    %dma_wait3A_101 = arith.constant 2 : i32
    %dma_wait3A_102 = arith.constant 256 : i32
    %dma_wait3A_103 = arith.constant 0 : i32
    %dma_wait3A_104 = tpu.memref_slice %arg6[%dma_wait3A_102, %dma_wait3A_103] : memref<1024x64xf32, #tpu.memory_space<vmem>> -> memref<128x64xf32, #tpu.memory_space<vmem>>
    %dma_wait3A_105 = arith.constant 0 : i32
    %dma_wait3A_106 = tpu.memref_slice %arg5[%dma_wait3A_101, %dma_wait3A_105] : memref<8x128xi32, #tpu.memory_space<vmem>> -> memref<1x128xi32, #tpu.memory_space<vmem>>
    %dma_wait3A_107 = tpu.memref_squeeze %dma_wait3A_106 : memref<1x128xi32, #tpu.memory_space<vmem>> -> memref<128xi32, #tpu.memory_space<vmem>>
    %dma_wait3A_108 = arith.constant 0 : i32
    %dma_wait3A_109 = arith.constant 0 : i32
    %dma_wait3A_110 = tpu.memref_slice %arg2[%dma_wait3A_108, %dma_wait3A_109] : memref<1024x64xf32, #tpu.memory_space<hbm>> -> memref<1024x64xf32, #tpu.memory_space<hbm>>
    tpu.wait_indirect_dma semaphore(%arg7 : memref<!tpu.dma_semaphore, #tpu.memory_space<semaphore_mem>>) src(%dma_wait3A_110 : memref<1024x64xf32, #tpu.memory_space<hbm>>) dst(%dma_wait3A_104 : memref<128x64xf32, #tpu.memory_space<vmem>>)
    %dma_wait3A_111 = arith.constant 3 : i32
    %dma_wait3A_112 = arith.constant 384 : i32
    %dma_wait3A_113 = arith.constant 0 : i32
    %dma_wait3A_114 = tpu.memref_slice %arg6[%dma_wait3A_112, %dma_wait3A_113] : memref<1024x64xf32, #tpu.memory_space<vmem>> -> memref<128x64xf32, #tpu.memory_space<vmem>>
    %dma_wait3A_115 = arith.constant 0 : i32
    %dma_wait3A_116 = tpu.memref_slice %arg5[%dma_wait3A_111, %dma_wait3A_115] : memref<8x128xi32, #tpu.memory_space<vmem>> -> memref<1x128xi32, #tpu.memory_space<vmem>>
    %dma_wait3A_117 = tpu.memref_squeeze %dma_wait3A_116 : memref<1x128xi32, #tpu.memory_space<vmem>> -> memref<128xi32, #tpu.memory_space<vmem>>
    %dma_wait3A_118 = arith.constant 0 : i32
    %dma_wait3A_119 = arith.constant 0 : i32
    %dma_wait3A_120 = tpu.memref_slice %arg2[%dma_wait3A_118, %dma_wait3A_119] : memref<1024x64xf32, #tpu.memory_space<hbm>> -> memref<1024x64xf32, #tpu.memory_space<hbm>>
    tpu.wait_indirect_dma semaphore(%arg7 : memref<!tpu.dma_semaphore, #tpu.memory_space<semaphore_mem>>) src(%dma_wait3A_120 : memref<1024x64xf32, #tpu.memory_space<hbm>>) dst(%dma_wait3A_114 : memref<128x64xf32, #tpu.memory_space<vmem>>)
    %dma_wait3A_121 = arith.constant 4 : i32
    %dma_wait3A_122 = arith.constant 512 : i32
    %dma_wait3A_123 = arith.constant 0 : i32
    %dma_wait3A_124 = tpu.memref_slice %arg6[%dma_wait3A_122, %dma_wait3A_123] : memref<1024x64xf32, #tpu.memory_space<vmem>> -> memref<128x64xf32, #tpu.memory_space<vmem>>
    %dma_wait3A_125 = arith.constant 0 : i32
    %dma_wait3A_126 = tpu.memref_slice %arg5[%dma_wait3A_121, %dma_wait3A_125] : memref<8x128xi32, #tpu.memory_space<vmem>> -> memref<1x128xi32, #tpu.memory_space<vmem>>
    %dma_wait3A_127 = tpu.memref_squeeze %dma_wait3A_126 : memref<1x128xi32, #tpu.memory_space<vmem>> -> memref<128xi32, #tpu.memory_space<vmem>>
    %dma_wait3A_128 = arith.constant 0 : i32
    %dma_wait3A_129 = arith.constant 0 : i32
    %dma_wait3A_130 = tpu.memref_slice %arg2[%dma_wait3A_128, %dma_wait3A_129] : memref<1024x64xf32, #tpu.memory_space<hbm>> -> memref<1024x64xf32, #tpu.memory_space<hbm>>
    tpu.wait_indirect_dma semaphore(%arg7 : memref<!tpu.dma_semaphore, #tpu.memory_space<semaphore_mem>>) src(%dma_wait3A_130 : memref<1024x64xf32, #tpu.memory_space<hbm>>) dst(%dma_wait3A_124 : memref<128x64xf32, #tpu.memory_space<vmem>>)
    %dma_wait3A_131 = arith.constant 5 : i32
    %dma_wait3A_132 = arith.constant 640 : i32
    %dma_wait3A_133 = arith.constant 0 : i32
    %dma_wait3A_134 = tpu.memref_slice %arg6[%dma_wait3A_132, %dma_wait3A_133] : memref<1024x64xf32, #tpu.memory_space<vmem>> -> memref<128x64xf32, #tpu.memory_space<vmem>>
    %dma_wait3A_135 = arith.constant 0 : i32
    %dma_wait3A_136 = tpu.memref_slice %arg5[%dma_wait3A_131, %dma_wait3A_135] : memref<8x128xi32, #tpu.memory_space<vmem>> -> memref<1x128xi32, #tpu.memory_space<vmem>>
    %dma_wait3A_137 = tpu.memref_squeeze %dma_wait3A_136 : memref<1x128xi32, #tpu.memory_space<vmem>> -> memref<128xi32, #tpu.memory_space<vmem>>
    %dma_wait3A_138 = arith.constant 0 : i32
    %dma_wait3A_139 = arith.constant 0 : i32
    %dma_wait3A_140 = tpu.memref_slice %arg2[%dma_wait3A_138, %dma_wait3A_139] : memref<1024x64xf32, #tpu.memory_space<hbm>> -> memref<1024x64xf32, #tpu.memory_space<hbm>>
    tpu.wait_indirect_dma semaphore(%arg7 : memref<!tpu.dma_semaphore, #tpu.memory_space<semaphore_mem>>) src(%dma_wait3A_140 : memref<1024x64xf32, #tpu.memory_space<hbm>>) dst(%dma_wait3A_134 : memref<128x64xf32, #tpu.memory_space<vmem>>)
    %dma_wait3A_141 = arith.constant 6 : i32
    %dma_wait3A_142 = arith.constant 768 : i32
    %dma_wait3A_143 = arith.constant 0 : i32
    %dma_wait3A_144 = tpu.memref_slice %arg6[%dma_wait3A_142, %dma_wait3A_143] : memref<1024x64xf32, #tpu.memory_space<vmem>> -> memref<128x64xf32, #tpu.memory_space<vmem>>
    %dma_wait3A_145 = arith.constant 0 : i32
    %dma_wait3A_146 = tpu.memref_slice %arg5[%dma_wait3A_141, %dma_wait3A_145] : memref<8x128xi32, #tpu.memory_space<vmem>> -> memref<1x128xi32, #tpu.memory_space<vmem>>
    %dma_wait3A_147 = tpu.memref_squeeze %dma_wait3A_146 : memref<1x128xi32, #tpu.memory_space<vmem>> -> memref<128xi32, #tpu.memory_space<vmem>>
    %dma_wait3A_148 = arith.constant 0 : i32
    %dma_wait3A_149 = arith.constant 0 : i32
    %dma_wait3A_150 = tpu.memref_slice %arg2[%dma_wait3A_148, %dma_wait3A_149] : memref<1024x64xf32, #tpu.memory_space<hbm>> -> memref<1024x64xf32, #tpu.memory_space<hbm>>
    tpu.wait_indirect_dma semaphore(%arg7 : memref<!tpu.dma_semaphore, #tpu.memory_space<semaphore_mem>>) src(%dma_wait3A_150 : memref<1024x64xf32, #tpu.memory_space<hbm>>) dst(%dma_wait3A_144 : memref<128x64xf32, #tpu.memory_space<vmem>>)
    %dma_wait3A_151 = arith.constant 7 : i32
    %dma_wait3A_152 = arith.constant 896 : i32
    %dma_wait3A_153 = arith.constant 0 : i32
    %dma_wait3A_154 = tpu.memref_slice %arg6[%dma_wait3A_152, %dma_wait3A_153] : memref<1024x64xf32, #tpu.memory_space<vmem>> -> memref<128x64xf32, #tpu.memory_space<vmem>>
    %dma_wait3A_155 = arith.constant 0 : i32
    %dma_wait3A_156 = tpu.memref_slice %arg5[%dma_wait3A_151, %dma_wait3A_155] : memref<8x128xi32, #tpu.memory_space<vmem>> -> memref<1x128xi32, #tpu.memory_space<vmem>>
    %dma_wait3A_157 = tpu.memref_squeeze %dma_wait3A_156 : memref<1x128xi32, #tpu.memory_space<vmem>> -> memref<128xi32, #tpu.memory_space<vmem>>
    %dma_wait3A_158 = arith.constant 0 : i32
    %dma_wait3A_159 = arith.constant 0 : i32
    %dma_wait3A_160 = tpu.memref_slice %arg2[%dma_wait3A_158, %dma_wait3A_159] : memref<1024x64xf32, #tpu.memory_space<hbm>> -> memref<1024x64xf32, #tpu.memory_space<hbm>>
    tpu.wait_indirect_dma semaphore(%arg7 : memref<!tpu.dma_semaphore, #tpu.memory_space<semaphore_mem>>) src(%dma_wait3A_160 : memref<1024x64xf32, #tpu.memory_space<hbm>>) dst(%dma_wait3A_154 : memref<128x64xf32, #tpu.memory_space<vmem>>)
    %mul3A_161 = arith.constant 1024 : i32
    %mul3A_162 = arith.muli %add3A, %mul3A_161 : i32
    "tpu.region"() ({
      %run_scoped3A = tpu.sem_alloc : memref<!tpu.dma_semaphore, #tpu.memory_space<semaphore_mem>>
      %dma_start3A_163 = arith.constant 0 : i32
      %dma_start3A_164 = tpu.memref_slice %arg4[%mul3A_162, %dma_start3A_163] : memref<16384x64xf32, #tpu.memory_space<hbm>> -> memref<1024x64xf32, #tpu.memory_space<hbm>>
      %dma_start3A_165 = arith.constant 0 : i32
      %dma_start3A_166 = tpu.memref_slice %arg4[%mul3A_162, %dma_start3A_165] : memref<16384x64xf32, #tpu.memory_space<hbm>> -> memref<1024x64xf32, #tpu.memory_space<hbm>>
      tpu.enqueue_dma source(%arg6 : memref<1024x64xf32, #tpu.memory_space<vmem>>) target(%dma_start3A_166 : memref<1024x64xf32, #tpu.memory_space<hbm>>) target_semaphore(%run_scoped3A : memref<!tpu.dma_semaphore, #tpu.memory_space<semaphore_mem>>)
      %dma_wait3A_167 = arith.constant 0 : i32
      %dma_wait3A_168 = tpu.memref_slice %arg4[%mul3A_162, %dma_wait3A_167] : memref<16384x64xf32, #tpu.memory_space<hbm>> -> memref<1024x64xf32, #tpu.memory_space<hbm>>
      %dma_wait3A_169 = arith.constant 0 : i32
      %dma_wait3A_170 = tpu.memref_slice %arg4[%mul3A_162, %dma_wait3A_169] : memref<16384x64xf32, #tpu.memory_space<hbm>> -> memref<1024x64xf32, #tpu.memory_space<hbm>>
      tpu.wait_dma2 semaphore(%run_scoped3A : memref<!tpu.dma_semaphore, #tpu.memory_space<semaphore_mem>>) src(%arg6 : memref<1024x64xf32, #tpu.memory_space<vmem>>) dst(%dma_wait3A_170 : memref<1024x64xf32, #tpu.memory_space<hbm>>)
      tpu.yield
    }) : () -> ()
    return
  }
}

module attributes {stable_mosaic.version = 14 : i64} {
  func.func @_tc_body(%arg0: i32, %arg1: memref<8192x64xf32, #tpu.memory_space<vmem>>, %arg2: memref<64x1024xf32, #tpu.memory_space<vmem>>, %arg3: memref<64x128xi32, #tpu.memory_space<vmem>>, %arg4: memref<1x1xf32, #tpu.memory_space<smem>>, %arg5: memref<1024x64xf32, #tpu.memory_space<vmem>>, %arg6: memref<1x1024xf32, #tpu.memory_space<vmem>>, %arg7: memref<8x1024xf32, #tpu.memory_space<vmem>>) attributes {dimension_semantics = [#tpu.dimension_semantics<arbitrary>], iteration_bounds = array<i64: 2>, scalar_prefetch = 0 : i64, scratch_operands = 2 : i64, tpu.core_type = #tpu.core_type<tc>, window_params = [{transform_indices = @transform_0, window_bounds = array<i64: 8192, 64>}, {pipeline_mode = #tpu.pipeline_mode<synchronous>, transform_indices = @transform_1, window_bounds = array<i64: 64, 1024>}, {transform_indices = @transform_2, window_bounds = array<i64: 64, 128>}, {transform_indices = @transform_3, window_bounds = array<i64: 1, 1>}, {pipeline_mode = #tpu.pipeline_mode<synchronous>, transform_indices = @transform_4, window_bounds = array<i64: 1024, 64>}]} {
    %eq3A = arith.constant 0 : i32
    %eq3A_0 = arith.cmpi eq, %arg0, %eq3A : i32
    %convert_element_type3A = arith.extui %eq3A_0 : i1 to i32
    %cond3A = arith.constant 0 : i32
    %cond3A_1 = arith.cmpi ne, %convert_element_type3A, %cond3A : i32
    scf.if %cond3A_1 {
      %get3A_55 = arith.constant 0 : index
      %get3A_56 = arith.constant 0 : index
      %get3A_57 = vector.load %arg2[%get3A_55, %get3A_56] : memref<64x1024xf32, #tpu.memory_space<vmem>>, vector<64x1024xf32>
      %mul3A_58 = arith.mulf %get3A_57, %get3A_57 : vector<64x1024xf32>
      %reduce_sum3A_59 = arith.constant dense<0.000000e+00> : vector<1024xf32>
      %reduce_sum3A_60 = vector.multi_reduction <add>, %mul3A_58, %reduce_sum3A_59 [0] : vector<64x1024xf32> to vector<1024xf32>
      %broadcast_in_dim3A_61 = vector.shape_cast %reduce_sum3A_60 : vector<1024xf32> to vector<1x1024xf32>
      %swap3A_62 = arith.constant 0 : index
      %swap3A_63 = arith.constant 0 : index
      %swap3A_64 = vector.load %arg6[%swap3A_62, %swap3A_63] : memref<1x1024xf32, #tpu.memory_space<vmem>>, vector<1x1024xf32>
      tpu.vector_store %arg6[%swap3A_62, %swap3A_63], %broadcast_in_dim3A_61 {strides = array<i32>} : memref<1x1024xf32, #tpu.memory_space<vmem>>, vector<1x1024xf32>,
      %iota3A = tpu.iota {dimensions = array<i32: 1>} : vector<8x1024xi32>
      %convert_element_type3A_65 = arith.sitofp %iota3A : vector<8x1024xi32> to vector<8x1024xf32>
      %swap3A_66 = arith.constant 0 : index
      %swap3A_67 = arith.constant 0 : index
      %swap3A_68 = vector.load %arg7[%swap3A_66, %swap3A_67] : memref<8x1024xf32, #tpu.memory_space<vmem>>, vector<8x1024xf32>
      tpu.vector_store %arg7[%swap3A_66, %swap3A_67], %convert_element_type3A_65 {strides = array<i32>} : memref<8x1024xf32, #tpu.memory_space<vmem>>, vector<8x1024xf32>,
    } else {
    }
    %get3A = arith.constant 0 : index
    %get3A_2 = arith.constant 0 : index
    %get3A_3 = vector.load %arg1[%get3A, %get3A_2] : memref<8192x64xf32, #tpu.memory_space<vmem>>, vector<8192x64xf32>
    %get3A_4 = arith.constant 0 : index
    %get3A_5 = arith.constant 0 : index
    %get3A_6 = vector.load %arg2[%get3A_4, %get3A_5] : memref<64x1024xf32, #tpu.memory_space<vmem>>, vector<64x1024xf32>
    %add3A = arith.addf %get3A_3, %get3A_3 : vector<8192x64xf32>
    %dot_general3A = arith.constant dense<0.000000e+00> : vector<8192x1024xf32>
    %dot_general3A_7 = tpu.matmul %add3A, %get3A_6, %dot_general3A {dimension_numbers = #tpu.dot_dimension_numbers<[1], [0], [0], [1], [0, 0, 1, 1], [], []>, transpose_lhs_hint = false} : vector<8192x64xf32>, vector<64x1024xf32>, vector<8192x1024xf32> -> vector<8192x1024xf32>
    %mul3A = arith.mulf %get3A_3, %get3A_3 : vector<8192x64xf32>
    %reduce_sum3A = arith.constant dense<0.000000e+00> : vector<8192xf32>
    %reduce_sum3A_8 = vector.multi_reduction <add>, %mul3A, %reduce_sum3A [1] : vector<8192x64xf32> to vector<8192xf32>
    %broadcast_in_dim3A = vector.shape_cast %reduce_sum3A_8 : vector<8192xf32> to vector<8192x1xf32>
    %get3A_9 = arith.constant 0 : index
    %get3A_10 = arith.constant 0 : index
    %get3A_11 = vector.load %arg6[%get3A_9, %get3A_10] : memref<1x1024xf32, #tpu.memory_space<vmem>>, vector<1x1024xf32>
    %add3A_12 = vector.broadcast %broadcast_in_dim3A : vector<8192x1xf32> to vector<8192x1024xf32>
    %add3A_13 = vector.broadcast %get3A_11 : vector<1x1024xf32> to vector<8192x1024xf32>
    %add3A_14 = arith.addf %add3A_12, %add3A_13 : vector<8192x1024xf32>
    %sub3A = arith.subf %add3A_14, %dot_general3A_7 : vector<8192x1024xf32>
    %reduce_min3A = arith.constant dense<0x7F800000> : vector<8192xf32>
    %reduce_min3A_15 = vector.multi_reduction <minimumf>, %sub3A, %reduce_min3A [1] : vector<8192x1024xf32> to vector<8192xf32>
    %broadcast_in_dim3A_16 = vector.shape_cast %reduce_min3A_15 : vector<8192xf32> to vector<8192x1xf32>
    %get3A_17 = arith.constant 0 : index
    %get3A_18 = arith.constant 0 : index
    %get3A_19 = vector.load %arg7[%get3A_17, %get3A_18] : memref<8x1024xf32, #tpu.memory_space<vmem>>, vector<1x1024xf32>
    %broadcast_in_dim3A_20 = vector.shape_cast %get3A_19 : vector<1x1024xf32> to vector<1x1024xf32>
    %broadcast_in_dim3A_21 = vector.broadcast %broadcast_in_dim3A_20 : vector<1x1024xf32> to vector<8192x1024xf32>
    %eq3A_22 = vector.broadcast %broadcast_in_dim3A_16 : vector<8192x1xf32> to vector<8192x1024xf32>
    %eq3A_23 = arith.cmpf oeq, %sub3A, %eq3A_22 : vector<8192x1024xf32>
    %jit3A = arith.constant 1.024000e+03 : f32
    %broadcast_in_dim3A_24 = vector.broadcast %jit3A : f32 to vector<8192x1024xf32>
    %select_n3A = arith.select %eq3A_23, %broadcast_in_dim3A_21, %broadcast_in_dim3A_24 : vector<8192x1024xi1>, vector<8192x1024xf32>
    %reduce_min3A_25 = arith.constant dense<0x7F800000> : vector<8192xf32>
    %reduce_min3A_26 = vector.multi_reduction <minimumf>, %select_n3A, %reduce_min3A_25 [1] : vector<8192x1024xf32> to vector<8192xf32>
    %broadcast_in_dim3A_27 = vector.shape_cast %reduce_min3A_26 : vector<8192xf32> to vector<8192x1xf32>
    %convert_element_type3A_28 = arith.fptosi %broadcast_in_dim3A_27 : vector<8192x1xf32> to vector<8192x1xi32>
    %reshape3A = vector.shape_cast %convert_element_type3A_28 : vector<8192x1xi32> to vector<64x128xi32>
    %swap3A = arith.constant 0 : index
    %swap3A_29 = arith.constant 0 : index
    %swap3A_30 = vector.load %arg3[%swap3A, %swap3A_29] : memref<64x128xi32, #tpu.memory_space<vmem>>, vector<64x128xi32>
    tpu.vector_store %arg3[%swap3A, %swap3A_29], %reshape3A {strides = array<i32>} : memref<64x128xi32, #tpu.memory_space<vmem>>, vector<64x128xi32>,
    %reduce_sum3A_31 = vector.shape_cast %broadcast_in_dim3A_16 : vector<8192x1xf32> to vector<1x8192x1xf32>
    %reduce_sum3A_32 = arith.constant dense<0.000000e+00> : vector<1xf32>
    %reduce_sum3A_33 = vector.multi_reduction <add>, %reduce_sum3A_31, %reduce_sum3A_32 [1, 2] : vector<1x8192x1xf32> to vector<1xf32>
    %reduce_sum3A_34 = vector.shape_cast %reduce_sum3A_33 : vector<1xf32> to vector<1x1x1xf32>
    %reduce_sum3A_35 = vector.extract %reduce_sum3A_34[0, 0, 0] : f32 from vector<1x1x1xf32>
    %eq3A_36 = arith.constant 0 : i32
    %eq3A_37 = arith.cmpi eq, %arg0, %eq3A_36 : i32
    %convert_element_type3A_38 = arith.extui %eq3A_37 : i1 to i32
    %cond3A_39 = arith.constant 0 : i32
    %cond3A_40 = arith.cmpi ne, %convert_element_type3A_38, %cond3A_39 : i32
    scf.if %cond3A_40 {
      %swap3A_55 = arith.constant 0 : index
      %swap3A_56 = arith.constant 0 : index
      %swap3A_57 = memref.load %arg4[%swap3A_55, %swap3A_56] : memref<1x1xf32, #tpu.memory_space<smem>>
      memref.store %reduce_sum3A_35, %arg4[%swap3A_55, %swap3A_56] : memref<1x1xf32, #tpu.memory_space<smem>>
    } else {
    }
    %ne3A = arith.constant 0 : i32
    %ne3A_41 = arith.cmpi ne, %arg0, %ne3A : i32
    %convert_element_type3A_42 = arith.extui %ne3A_41 : i1 to i32
    %cond3A_43 = arith.constant 0 : i32
    %cond3A_44 = arith.cmpi ne, %convert_element_type3A_42, %cond3A_43 : i32
    scf.if %cond3A_44 {
      %get3A_55 = arith.constant 0 : index
      %get3A_56 = arith.constant 0 : index
      %get3A_57 = memref.load %arg4[%get3A_55, %get3A_56] : memref<1x1xf32, #tpu.memory_space<smem>>
      %add3A_58 = arith.addf %get3A_57, %reduce_sum3A_35 : f32
      %swap3A_59 = arith.constant 0 : index
      %swap3A_60 = arith.constant 0 : index
      %swap3A_61 = memref.load %arg4[%swap3A_59, %swap3A_60] : memref<1x1xf32, #tpu.memory_space<smem>>
      memref.store %add3A_58, %arg4[%swap3A_59, %swap3A_60] : memref<1x1xf32, #tpu.memory_space<smem>>
    } else {
    }
    %eq3A_45 = arith.constant 1 : i32
    %eq3A_46 = arith.cmpi eq, %arg0, %eq3A_45 : i32
    %convert_element_type3A_47 = arith.extui %eq3A_46 : i1 to i32
    %cond3A_48 = arith.constant 0 : i32
    %cond3A_49 = arith.cmpi ne, %convert_element_type3A_47, %cond3A_48 : i32
    scf.if %cond3A_49 {
      %get3A_55 = arith.constant 0 : index
      %get3A_56 = arith.constant 0 : index
      %get3A_57 = memref.load %arg4[%get3A_55, %get3A_56] : memref<1x1xf32, #tpu.memory_space<smem>>
      %mul3A_58 = arith.constant 1.1920929E-6 : f32
      %mul3A_59 = arith.mulf %get3A_57, %mul3A_58 : f32
      %swap3A_60 = arith.constant 0 : index
      %swap3A_61 = arith.constant 0 : index
      %swap3A_62 = memref.load %arg4[%swap3A_60, %swap3A_61] : memref<1x1xf32, #tpu.memory_space<smem>>
      memref.store %mul3A_59, %arg4[%swap3A_60, %swap3A_61] : memref<1x1xf32, #tpu.memory_space<smem>>
    } else {
    }
    %eq3A_50 = arith.constant 0 : i32
    %eq3A_51 = arith.cmpi eq, %arg0, %eq3A_50 : i32
    %convert_element_type3A_52 = arith.extui %eq3A_51 : i1 to i32
    %cond3A_53 = arith.constant 0 : i32
    %cond3A_54 = arith.cmpi ne, %convert_element_type3A_52, %cond3A_53 : i32
    scf.if %cond3A_54 {
      %transpose3A = tpu.transpose %get3A_6, [1, 0] : vector<64x1024xf32> -> vector<1024x64xf32>
      %swap3A_55 = arith.constant 0 : index
      %swap3A_56 = arith.constant 0 : index
      %swap3A_57 = vector.load %arg5[%swap3A_55, %swap3A_56] : memref<1024x64xf32, #tpu.memory_space<vmem>>, vector<1024x64xf32>
      tpu.vector_store %arg5[%swap3A_55, %swap3A_56], %transpose3A {strides = array<i32>} : memref<1024x64xf32, #tpu.memory_space<vmem>>, vector<1024x64xf32>,
    } else {
    }
    return
  }
  func.func @transform_0(%arg0: i32) -> (i32, i32) {
    %c0_i32 = arith.constant 0 : i32
    %c0_i32_0 = arith.constant 0 : i32
    return %arg0, %c0_i32 : i32, i32
  }
  func.func @transform_1(%arg0: i32) -> (i32, i32) {
    %c0_i32 = arith.constant 0 : i32
    %c0_i32_0 = arith.constant 0 : i32
    %c0_i32_1 = arith.constant 0 : i32
    return %c0_i32, %c0_i32_0 : i32, i32
  }
  func.func @transform_2(%arg0: i32) -> (i32, i32) {
    %c0_i32 = arith.constant 0 : i32
    %c0_i32_0 = arith.constant 0 : i32
    return %arg0, %c0_i32 : i32, i32
  }
  func.func @transform_3(%arg0: i32) -> (i32, i32) {
    %c0_i32 = arith.constant 0 : i32
    %c0_i32_0 = arith.constant 0 : i32
    %c0_i32_1 = arith.constant 0 : i32
    return %c0_i32, %c0_i32_0 : i32, i32
  }
  func.func @transform_4(%arg0: i32) -> (i32, i32) {
    %c0_i32 = arith.constant 0 : i32
    %c0_i32_0 = arith.constant 0 : i32
    %c0_i32_1 = arith.constant 0 : i32
    return %c0_i32, %c0_i32_0 : i32, i32
  }
}

</mosaic_0001>

<sc_bundles>
// kernel: kernel.4.cloned.1.call-start
scs
__scs_entry_jumppad:
0x0: {  	(pc) =	sbr.rel $0x88, $3  }
0x1: {  	(tag) =	ssettag $0x0;
	lr =	simm.s32 $0x1  }
0x2: {  	[smem:$0x3F9F] =	sst lr;
	_ =	strace $0xD0000000  }
0x3: {  	_ = 	snop  }
0x4: {  	_ = 	snop  }
0x5: {  	_ = 	snop  }
0x6: {  	_ = 	snop  }
0x7: {  	_ = 	snop  }
__scs_overlays_trampoline_lowered:
0x8: {  	[smem:$0x3FAE] =	sst s0  }
0x9: {  	[smem:$0x3FAF] =	sst s1  }
0xa: {  	[smem:$0x3FB0] =	sst s2  }
0xb: {  	[smem:$0x3FB1] =	sst s3  }
0xc: {  	[smem:$0x3FB2] =	sst s4  }
0xd: {  	[smem:$0x3FB3] =	sst s5  }
0xe: {  	[smem:$0x3FB4] =	sst s6  }
0xf: {  	[smem:$0x3FB5] =	sst s7  }
0x10: {  	[smem:$0x3FB6] =	sst s8  }
0x11: {  	[smem:$0x3FB7] =	sst s9;
	s0 =	simm.s32 @!p0 $0x0  }
0x12: {  	s1 =	sld [smem:$0x3F9D];
	s0 =	simm.s32 @p0 $0x1  }
0x13: {  	[smem:$0x3FB8] =	sst s0;
	s0 =	simm.s32 @!p1 $0x0  }
0x14: {  	s2 =	sld [smem:$0x3F9C];
	s0 =	simm.s32 @p1 $0x1  }
0x15: {  	[smem:$0x3FB9] =	sst s0;
	s0 =	simm.s32 @!p2 $0x0  }
0x16: {  	s3 =	sld [smem:$0x3FDB];
	s0 =	simm.s32 @p2 $0x1  }
0x17: {  	s4 =	simm.s32 $0x1BF5;
	[smem:$0x3FBB] =	sst s0  }
0x18: {  	s0 =	sld [smem:$0x3F9E];
	_ =	swait.ge [sflag:s4], $0x0  }
0x19: {  	s7 =	sld [smem:$0x3F9F]  }
0x1a: {  	s8 =	sadd.s32 $0xFFFFE003, lr  }
0x1b: {  	s9 =	sadd.s32 $0xFFFFFEF7, lr;
	s5 =	simm.s32 $0xFFFFFFFF;
	p2 =	slt.u32 s8, $0xFFFFF086  }
0x1c: {  	p1 =	slt.u32 s9, $0xF7A;
	s5 =	simm.s32 @!p2 $0x0  }
0x1d: {  	s5 =	simm.s32 @p1 $0x1;
	p0 =	seq.s32 s7, s2  }
0x1e: {  	s7 =	smul.u32 @!p0 $0xF7A, s2;
	p2 =	seq.s32 @!p0 s5, $0x0  }
0x1f: {  	s9 =	smul.u32 $0xF7A, s1;
	s8 =	simm.s32 @!p0 $0x1BF5;
	p2 =	por !p2, p0  }
0x20: {  	[sflag:s8] =	ssyncset.s32 @!p0 $0xFFFFF086;
	s6 =	sadd.s32 @!p0 s3, s7;
	s7 =	simm.s32 @!p0 $0x108  }
0x21: {  	s3 =	sadd.s32 s3, s9;
	s6 =	sadd.s32 @!p0 $0x88, s6;
	s7 =	simm.s32 @p2 $0x1082  }
0x22: {  	[simem:s7], [sflag:s8] =	dma.local @!p0 [hbm:s6], $0xF7A  }
0x23: {  	s9 =	sor.u32 $0xD0000000, s2;
	s6 =	simm.s32 $0x108;
	_ =	swait.ge @!p0 [sflag:s8], $0x0  }
0x24: {  	s3 =	sadd.s32 $0x88, s3;
	s6 =	simm.s32 @!p1 $0x1082;
	[sflag:s4] =	ssyncset.s32 $0xFFFFF086  }
0x25: {  	[simem:s6], [sflag:s4] =	dma.local [hbm:s3], $0xF7A  }
0x26: {  	[smem:$0x3F9F] =	sst s1;
	(tag) =	ssettag s2;
	_ =	strace s9  }
0x27: {  	s1 =	sld [smem:$0x3FAF]  }
0x28: {  	s2 =	sld [smem:$0x3FB0]  }
0x29: {  	s4 =	sld [smem:$0x3FB2]  }
0x2a: {  	p0 =	seq.s32 s5, $0x0;
	s5 =	sld [smem:$0x3FB3]  }
0x2b: {  	s6 =	sld [smem:$0x3FB4]  }
0x2c: {  	s7 =	sld [smem:$0x3FB5]  }
0x2d: {  	s3 =	simm.s32 $0x108;
	s8 =	sld [smem:$0x3FB6]  }
0x2e: {  	s3 =	simm.s32 @!p0 $0x1082;
	s9 =	sld [smem:$0x3FB7]  }
0x2f: {  	lr =	sadd.s32 s0, s3;
	s0 =	sld [smem:$0x3FAE]  }
0x30: {  	s3 =	sld [smem:$0x3FB1]  }
0x31: {  	[smem:$0x3FBA] =	sst s10  }
0x32: {  	s10 =	sld [smem:$0x3FB8];
	_ =	sdelay $0x3  }
0x33: {  	p0 =	seq.s32 s10, $0x1;
	s10 =	sld [smem:$0x3FBA];
	_ =	sdelay $0x3  }
0x34: {  	[smem:$0x3FBA] =	sst s10  }
0x35: {  	s10 =	sld [smem:$0x3FB9];
	_ =	sdelay $0x3  }
0x36: {  	p1 =	seq.s32 s10, $0x1;
	s10 =	sld [smem:$0x3FBA];
	_ =	sdelay $0x3  }
0x37: {  	[smem:$0x3FBA] =	sst s10  }
0x38: {  	s10 =	sld [smem:$0x3FBB]  }
0x39: {  	_ = 	snop;
	(pc) =	sbr.ind lr, $3  }
0x3a: {  	_ = 	snop  }
0x3b: {  	_ = 	snop  }
0x3c: {  	p2 =	seq.s32 s10, $0x1;
	s10 =	sld [smem:$0x3FBA]  }
0x3d: {  	_ =	shalt  }
0x3e: {  	_ =	shalt  }
0x3f: {  	_ =	shalt  }
0x40: {  	_ =	shalt  }
0x41: {  	_ =	shalt  }
0x42: {  	_ =	shalt  }
0x43: {  	_ =	shalt  }
0x44: {  	_ =	shalt  }
0x45: {  	_ =	shalt  }
0x46: {  	_ =	shalt  }
0x47: {  	_ =	shalt  }
0x48: {  	_ =	shalt  }
0x49: {  	_ =	shalt  }
0x4a: {  	_ =	shalt  }
0x4b: {  	_ =	shalt  }
0x4c: {  	_ =	shalt  }
0x4d: {  	_ =	shalt  }
0x4e: {  	_ =	shalt  }
0x4f: {  	_ =	shalt  }
0x50: {  	_ =	shalt  }
0x51: {  	_ =	shalt  }
0x52: {  	_ =	shalt  }
0x53: {  	_ =	shalt  }
0x54: {  	_ =	shalt  }
0x55: {  	_ =	shalt  }
0x56: {  	_ =	shalt  }
0x57: {  	_ =	shalt  }
0x58: {  	_ =	shalt  }
0x59: {  	_ =	shalt  }
0x5a: {  	_ =	shalt  }
0x5b: {  	_ =	shalt  }
0x5c: {  	_ =	shalt  }
0x5d: {  	_ =	shalt  }
0x5e: {  	_ =	shalt  }
0x5f: {  	_ =	shalt  }
0x60: {  	_ =	shalt  }
0x61: {  	_ =	shalt  }
0x62: {  	_ =	shalt  }
0x63: {  	_ =	shalt  }
0x64: {  	_ =	shalt  }
0x65: {  	_ =	shalt  }
0x66: {  	_ =	shalt  }
0x67: {  	_ =	shalt  }
0x68: {  	_ =	shalt  }
0x69: {  	_ =	shalt  }
0x6a: {  	_ =	shalt  }
0x6b: {  	_ =	shalt  }
0x6c: {  	_ =	shalt  }
0x6d: {  	_ =	shalt  }
0x6e: {  	_ =	shalt  }
0x6f: {  	_ =	shalt  }
0x70: {  	_ =	shalt  }
0x71: {  	_ =	shalt  }
0x72: {  	_ =	shalt  }
0x73: {  	_ =	shalt  }
0x74: {  	_ =	shalt  }
0x75: {  	_ =	shalt  }
0x76: {  	_ =	shalt  }
0x77: {  	_ =	shalt  }
0x78: {  	_ =	shalt  }
0x79: {  	_ =	shalt  }
0x7a: {  	_ =	shalt  }
0x7b: {  	_ =	shalt  }
0x7c: {  	_ =	shalt  }
0x7d: {  	_ =	shalt  }
0x7e: {  	_ =	shalt  }
0x7f: {  	_ =	shalt  }
0x80: {  	_ =	shalt  }
0x81: {  	_ =	shalt  }
0x82: {  	_ =	shalt  }
0x83: {  	_ =	shalt  }
0x84: {  	_ =	shalt  }
0x85: {  	_ =	shalt  }
0x86: {  	_ =	shalt  }
0x87: {  	_ =	shalt  }
.Lfunc_end0:
.L_simem_size_0:
called_computation_lowered:
.L_overlay_start_0:
0x88: {  	s0 =	sld [smem:$0x3FD9]  }
0x89: {  	s1 =	sld [smem:$0x3FFE];
	_ =	sdelay $0x3  }
0x8a: {  	s0 =	sadd.s32 s1, s0  }
0x8b: {  	[smem:$0x3FC6] =	sst s0  }
0x8c: {  	_ = 	snop  }
0x8d: {  	s0 =	sld [smem:$0x3FD0];
	_ =	sdelay $0x2  }
0x8e: {  	s13 =	simm.s32 $0xA;
	s2 =	simm.s32 $0x10  }
0x8f: {  	[smem:s2], [sflag:s13] =	dma.local [hbm:s0], $0x1  }
0x90: {  	_ =	swait.eq [sflag:s13], $0x1  }
0x91: {  	[sflag:s13] =	ssyncset.done $0x0  }
0x92: {  	[sflag:s13] =	ssyncadd.s32 $0xFFFFFFFF  }
0x93: {  	s14 =	sld [smem:$0x10];
	(tm) =	ssettm $0x1  }
0x94: {  	s15 =	sld [smem:$0x3FFB];
	_ =	sdelay $0x3  }
0x95: {  	_ =	strace s15  }
0x96: {  	s1 =	sld [smem:$0x3FFC];
	_ =	sdelay $0x3  }
0x97: {  	_ =	strace s1  }
0x98: {  	s1 =	sld [smem:$0x3FFD];
	_ =	sdelay $0x3  }
0x99: {  	_ =	strace s1  }
0x9a: {  	_ =	strace $0x8FFFFFFF  }
0x9b: {  	s16 =	sld [smem:$0x3FDB];
	_ =	sdelay $0x1  }
0x9c: {  	s17 =	simm.s32 $_scs_section_size  }
0x9d: {  	s3 =	simm.s32 $_size__tile_overlayer_lowered;
	s4 =	simm.s32 $_tile_overlayer_lowered  }
0x9e: {  	s20 =	simm.s32 $0x1BFF;
	s19 =	sshll.u32 s4, $0x1;
	s1 =	sadd.s32 s17, s16  }
0x9f: {  	s5 =	simm.s32 $0x0;
	s18 =	sshll.u32 s3, $0x1;
	s3 =	sadd.s32 s19, s1  }
0xa0: {  	[timem:s5], [sflag:s20] =	dma.local [hbm:s3], s18  }
0xa1: {  	_ =	swait.ge [sflag:s20], s18  }
0xa2: {  	s2 =	ssub.s32 $0x0, s18;
	[sflag:s20] =	ssyncset.done $0x0  }
0xa3: {  	[sflag:s20] =	ssyncadd.s32 s2;
	_ =	sdelay $0x1  }
0xa4: {  	s21 =	simm.s32 $0x1B8B  }
0xa5: {  	_ =	swait.ge [sflag:s21], $0x1  }
0xa6: {  	[sflag:s21] =	ssyncset.done $0x0  }
0xa7: {  	s23 =	simm.s32 $0x1B8E;
	s22 =	sld [smem:$0x3FFE];
	[sflag:s21] =	ssyncadd.s32 $0xFFFFFFFF  }
0xa8: {  	s24 =	simm.s32 $execute0_lowered;
	[smem:$0x3FD2] =	sst s23  }
0xa9: {  	s3 =	sshll.u32 s24, $0x1;
	_ =	strace $0x80000046;
	[dreg:$0x1] =	wrdreg $0xFFFFFFFF  }
0xaa: {  	s25 =	simm.s32 $_size_execute0_lowered;
	s1 =	sadd.s32 s1, s3;
	[dreg:$0x0] =	wrdreg $0x0  }
0xab: {  	s3 =	sshll.u32 s25, $0x1;
	[dreg:$0x2] =	wrdreg s1  }
0xac: {  	[dreg:$0x3] =	wrdreg s3  }
0xad: {  	[dreg:$0x4] =	wrdreg $0xC0  }
0xae: {  	_ =	task [dreg:s5], $0x5FFFF  }
0xaf: {  	[dreg:$0x1] =	wrdreg $0xFFFFFFFF  }
0xb0: {  	[dreg:$0x0] =	wrdreg $0x60  }
0xb1: {  	[dreg:$0x2] =	wrdreg s14  }
0xb2: {  	[dreg:$0x3] =	wrdreg s22  }
0xb3: {  	[dreg:$0x4] =	wrdreg $0x9  }
0xb4: {  	_ =	task.clear_ibuf [dreg:s5], $0x5FFFF;
	_ =	strace $0x90000046  }
0xb5: {  	s26 =	simm.s32 $0x9;
	_ =	strace $0x80000048  }
0xb6: {  	_ =	swait.ge [sflag:s26], $0x1  }
0xb7: {  	[sflag:s26] =	ssyncadd.s32 $0xFFFFFFFF  }
0xb8: {  	_ =	strace $0x90000048  }
0xb9: {  	_ =	sfence  }
0xba: {  	s28 =	sld [smem:$0x0];
	_ =	sdelay $0x1  }
0xbb: {  	s29 =	srdreg.scid  }
0xbc: {  	s30 =	sshll.u32 s29, $0xD;
	s31 =	sshrl.u32 s29, $0x2  }
0xbd: {  	s2 =	sand.u32 $0x4000, s30;
	s1 =	sand.u32 $0x1, s29;
	s0 =	sadd.s32 s31, s28  }
0xbe: {  	s1 =	sor.u32 s2, s1;
	s0 =	sshll.u32 s0, $0x11  }
0xbf: {  	s0 =	sor.u32 s0, s1  }
0xc0: {  	s0 =	sadd.s32 $0x8F2B, s0  }
0xc1: {  	[sflag:s0] =	ssyncadd.remote.s32 $0x1  }
0xc2: {  	_ =	sfence.sel $0xFFFF  }
0xc3: {  	[dreg:$0x0] =	wrdreg $0xFFFFFFFF;
	(pc) =	sbr.abs _section_cstart, $3  }
0xc4: {  	[dreg:$0x1] =	wrdreg $0xFFFFFFFF  }
0xc5: {  	_ =	task.clear_ibuf [dreg:s5], $0x2FFFF;
	_ =	strace $0x9FFFFFFF  }
0xc6: {  	(tm) =	ssettm $0x7FFFFFFF  }
0xc7: {  	_ =	shalt  }
tec
execute0_lowered:
.L_overlay_start_1:
0x0: {  	(tag) =	ssettag $0x1  }
0x1: {  	s2 =	rddreg [dreg:$0x0]  }
0x2: {  	s3 =	rddreg [dreg:$0x1];
	s1 =	stileid.u32  }
0x3: {  	s0 =	rddreg [dreg:$0x2];
	s4 =	simm.s32 $0x0;
	s5 =	sshll.u32 s1, $0x7  }
0x4: {  	[smem:$0x7FF] =	sst s4;
	s5 =	sadd.s32 s5, s3  }
0x5: {  	s17 =	simm.s32 $0x2;
	_ =	strace $0x80000047;
	s5 =	sadd.s32 $0xC00, s5  }
0x6: {  	[tilespmem:s4], [sflag:$0x2] =	stream.linear.gather [hbm4b:s5+s4], $0x400, $0x38;
	[tilespmem:$0x10400] =	vst v63  }
0x7: {  	_ =	swait.ge [sflag:s17], $0x400  }
0x8: {  	[sflag:s17] =	ssyncset.done $0x0  }
0x9: {  	s6 =	simm.s32 $0x80;
	s7 =	simm.s32 $0x400;
	[sflag:s17] =	ssyncadd.s32 $0xFFFFFC00  }
0xa: {  	[tilespmem:s7], [sflag:$0x1] =	stream.indirect.gather [hbm4b:s2+s6], $0x40, s4, s6, $0xb8;
	[tilespmem:$0x10400] =	vst v63  }
0xb: {  	s8 =	simm.s32 $0x2400  }
0xc: {  	[tilespmem:s8], [sflag:$0x1] =	stream.indirect.gather [hbm4b:s2+s6], $0x40, s6, s6, $0xb8;
	[tilespmem:$0x10400] =	vst v63  }
0xd: {  	s18 =	simm.s32 $0x100;
	s9 =	simm.s32 $0x4400  }
0xe: {  	[tilespmem:s9], [sflag:$0x1] =	stream.indirect.gather [hbm4b:s2+s6], $0x40, s18, s6, $0xb8;
	[tilespmem:$0x10400] =	vst v63  }
0xf: {  	s19 =	simm.s32 $0x180;
	s20 =	simm.s32 $0x6400  }
0x10: {  	[tilespmem:s20], [sflag:$0x1] =	stream.indirect.gather [hbm4b:s2+s6], $0x40, s19, s6, $0xb8;
	[tilespmem:$0x10400] =	vst v63  }
0x11: {  	s21 =	simm.s32 $0x200;
	s22 =	simm.s32 $0x8400  }
0x12: {  	[tilespmem:s22], [sflag:$0x1] =	stream.indirect.gather [hbm4b:s2+s6], $0x40, s21, s6, $0xb8;
	[tilespmem:$0x10400] =	vst v63  }
0x13: {  	s23 =	simm.s32 $0x280;
	s24 =	simm.s32 $0xA400  }
0x14: {  	[tilespmem:s24], [sflag:$0x1] =	stream.indirect.gather [hbm4b:s2+s6], $0x40, s23, s6, $0xb8;
	[tilespmem:$0x10400] =	vst v63  }
0x15: {  	s25 =	simm.s32 $0x300;
	s26 =	simm.s32 $0xC400  }
0x16: {  	[tilespmem:s26], [sflag:$0x1] =	stream.indirect.gather [hbm4b:s2+s6], $0x40, s25, s6, $0xb8;
	[tilespmem:$0x10400] =	vst v63  }
0x17: {  	s28 =	simm.s32 $0x380;
	s29 =	simm.s32 $0xE400;
	s30 =	simm.s32 $0x1  }
0x18: {  	[tilespmem:s29], [sflag:$0x1] =	stream.indirect.gather [hbm4b:s2+s6], $0x40, s28, s6, $0xb8;
	[tilespmem:$0x10400] =	vst v63  }
0x19: {  	_ =	swait.ge [sflag:s30], $0x2000  }
0x1a: {  	[sflag:s30] =	ssyncset.done $0x0  }
0x1b: {  	[sflag:s30] =	ssyncadd.s32 $0xFFFFE000  }
0x1c: {  	_ =	swait.ge [sflag:s30], $0x2000  }
0x1d: {  	[sflag:s30] =	ssyncset.done $0x0  }
0x1e: {  	[sflag:s30] =	ssyncadd.s32 $0xFFFFE000  }
0x1f: {  	_ =	swait.ge [sflag:s30], $0x2000  }
0x20: {  	[sflag:s30] =	ssyncset.done $0x0  }
0x21: {  	[sflag:s30] =	ssyncadd.s32 $0xFFFFE000  }
0x22: {  	_ =	swait.ge [sflag:s30], $0x2000  }
0x23: {  	[sflag:s30] =	ssyncset.done $0x0  }
0x24: {  	[sflag:s30] =	ssyncadd.s32 $0xFFFFE000  }
0x25: {  	_ =	swait.ge [sflag:s30], $0x2000  }
0x26: {  	[sflag:s30] =	ssyncset.done $0x0  }
0x27: {  	[sflag:s30] =	ssyncadd.s32 $0xFFFFE000  }
0x28: {  	_ =	swait.ge [sflag:s30], $0x2000  }
0x29: {  	[sflag:s30] =	ssyncset.done $0x0  }
0x2a: {  	[sflag:s30] =	ssyncadd.s32 $0xFFFFE000  }
0x2b: {  	_ =	swait.ge [sflag:s30], $0x2000  }
0x2c: {  	[sflag:s30] =	ssyncset.done $0x0  }
0x2d: {  	[sflag:s30] =	ssyncadd.s32 $0xFFFFE000  }
0x2e: {  	s31 =	sshll.u32 s1, $0xD;
	_ =	swait.ge [sflag:s30], $0x2000  }
0x2f: {  	s3 =	sadd.s32 s31, s3;
	[sflag:s30] =	ssyncset.done $0x0  }
0x30: {  	s3 =	sadd.s32 $0x1400, s3;
	[sflag:s30] =	ssyncadd.s32 $0xFFFFE000  }
0x31: {  	[hbm4b:s3+s4] =	stream.linear.scatter [tilespmem:s7], [sflag:$0x2], $0x10000, $0x38;
	[tilespmem:$0x10400] =	vst v63  }
0x32: {  	_ =	swait.ge [sflag:s17], $0x10000  }
0x33: {  	[sflag:s17] =	ssyncset.done $0x0  }
0x34: {  	[sflag:s17] =	ssyncadd.s32 $0xFFFF0000  }
0x35: {  	_ =	sfence.sel $0x180000  }
0x36: {  	[bflag:$0x0] =	sbarrier.arrive $0xFFFF  }
0x37: {  	p0 =	sne.s32 s1, $0x0;
	_ =	strace $0x90000047  }
0x38: {  	s0 =	sadd.s32 @!p0 $0x100000, s0;
	[bflag:$0x2] =	sbarrier.arrive $0xFFFF  }
0x39: {  	[sflag:s0] =	ssyncadd.tile.s32 @!p0 $0x1;
	_ =	shalt  }
.Lfunc_end2:
_tile_overlayer_lowered:
.L_overlay_start_2:
0x3a: {  	(tag) =	ssettag $0x2  }
0x3b: {  	s0 =	rddreg [dreg:$0x0];
	s2 =	stileid.u32  }
0x3c: {  	s1 =	rddreg [dreg:$0x1];
	p0 =	sne.s32 s2, $0x0  }
0x3d: {  	s3 =	rddreg [dreg:$0x2];
	[bflag:$0x3] =	sbarrier.arrive $0xFFFF;
	s2 =	simm.s32 @!p0 $0x1C02  }
0x3e: {  	[timem:s3], [sflag:s2] =	dma.local @!p0 [hbm:s0], s1  }
0x3f: {  	s0 =	simm.s32 @!p0 $0x2  }
0x40: {  	_ =	swait.ge @!p0 [sflag:s0], s1  }
0x41: {  	s1 =	ssub.s32 @!p0 $0x0, s1;
	[sflag:s0] =	ssyncset.done @!p0 $0x0  }
0x42: {  	[sflag:s0] =	ssyncadd.s32 @!p0 s1  }
0x43: {  	[bflag:$0x3] =	sbarrier.arrive $0xFFFF  }
0x44: {  	_ =	shalt  }

</sc_bundles>
